<compile_context>
chip_gen: v7x
topology: tpu7x:2x2x1
jax: 0.10.2.dev20260603
libtpu: 0.0.44.dev20260713+nightly
codegen_flags: <defaults>
</compile_context>

<pallas_src>
import functools

import jax
import jax.numpy as jnp
from jax import lax
from jax.experimental import pallas as pl
from jax.experimental.pallas import tpu as pltpu
from jax.experimental.pallas import tpu_sc as plsc


def _tc_tableprep(weight_int8):
    V, D = weight_int8.shape
    W = D // 4
    R = 8000

    def prep(w_ref, out_ref):
        x = w_ref[...].astype(jnp.int32)
        b0 = x[:, 0 * W:1 * W] & 255
        b1 = x[:, 1 * W:2 * W] & 255
        b2 = x[:, 2 * W:3 * W] & 255
        b3 = x[:, 3 * W:4 * W]
        out_ref[...] = (b0 + (b1 << 8)) + ((b2 << 16) + (b3 << 24))

    return pl.pallas_call(
        prep,
        grid=(V // R,),
        in_specs=[pl.BlockSpec((R, D), lambda i: (i, 0))],
        out_specs=pl.BlockSpec((R, W), lambda i: (i, 0)),
        out_shape=jax.ShapeDtypeStruct((V, W), jnp.int32),
    )(weight_int8)


def _sc_gather(idx, tab_i32, weight_scale):
    BL = idx.shape[0]
    V, W = tab_i32.shape
    NC, NS = 2, 16
    NW = NC * NS
    per_w = BL // NW
    C = 2560
    n_chunks = per_w // C

    mesh = plsc.VectorSubcoreMesh(core_axis_name="c", subcore_axis_name="s")

    @functools.partial(
        pl.kernel,
        mesh=mesh,
        compiler_params=pltpu.CompilerParams(use_tc_tiling_on_sc=False),
        out_type=[
            jax.ShapeDtypeStruct((BL, W), jnp.int32),
            jax.ShapeDtypeStruct((BL,), jnp.float32),
        ],
        scratch_types=[
            pltpu.VMEM((per_w,), jnp.int32),
            pltpu.VMEM((C, W), jnp.int32),
            pltpu.VMEM((C,), jnp.float32),
            pltpu.SemaphoreType.DMA,
            pltpu.SemaphoreType.DMA,
        ],
    )
    def gather_k(idx_hbm, tab_hbm, scale_hbm, rows_out, scale_out,
                 idx_v, rows_v, sc_v, sem_r, sem_s):
        wid = lax.axis_index("s") * NC + lax.axis_index("c")
        base = pl.multiple_of(wid * per_w, 8)
        pltpu.sync_copy(idx_hbm.at[pl.ds(base, per_w)], idx_v)

        def body(g, carry):
            off = pl.multiple_of(g * C, 8)
            idx_c = idx_v.at[pl.ds(off, C)]
            cp_r = pltpu.async_copy(tab_hbm.at[idx_c], rows_v, sem_r)
            cp_s = pltpu.async_copy(scale_hbm.at[idx_c], sc_v, sem_s)
            cp_r.wait()
            cp_s.wait()
            dst = pl.multiple_of(base + off, 8)
            pltpu.sync_copy(rows_v, rows_out.at[pl.ds(dst, C)])
            pltpu.sync_copy(sc_v, scale_out.at[pl.ds(dst, C)])
            return carry

        lax.fori_loop(0, n_chunks, body, 0)

    return gather_k(idx, tab_i32, weight_scale)


def _tc_dequant(rows2, scales, B, L, D):
    GB = 64
    TR = GB * L
    W = D // 4
    WR = TR * W // 128

    def dq(rows_ref, scale_ref, out_ref):
        x = rows_ref[...]
        planes = [
            (x << 24) >> 24,
            (x << 16) >> 24,
            (x << 8) >> 24,
            x >> 24,
        ]
        parts = []
        for q in range(8):
            sub = [p[:, 16 * q:16 * (q + 1)] for p in planes]
            parts.append(jnp.concatenate(sub, axis=1)[:, None, :])
        y = jnp.concatenate(parts, axis=1).reshape(TR, D)
        y = (y.astype(jnp.float32) * scale_ref[...]).astype(jnp.bfloat16)
        out_ref[...] = y.reshape(GB, L, D)

    return pl.pallas_call(
        dq,
        grid=(B // GB,),
        in_specs=[
            pl.BlockSpec((WR, 128), lambda i: (i, 0)),
            pl.BlockSpec((TR, 1), lambda i: (i, 0)),
        ],
        out_specs=pl.BlockSpec((GB, L, D), lambda i: (i, 0, 0)),
        out_shape=jax.ShapeDtypeStruct((B, L, D), jnp.bfloat16),
    )(rows2, scales)


def kernel(input, weight_int8, weight_scale):
    B, L = input.shape
    V, D = weight_int8.shape
    BL = B * L
    tab_i32 = _tc_tableprep(weight_int8)
    rows_w, scale_w = _sc_gather(input.reshape(BL), tab_i32, weight_scale)
    rows2 = rows_w.reshape(BL * (D // 4) // 128, 128)
    return _tc_dequant(rows2, scale_w.reshape(BL, 1), B, L, D)

# --- scband reference (transcript-rebuilt; emitter-appended) ---
"""Pipeline reference for scband-quantized-embedding-1271310320438 (READ-ONLY COPY).

The authoritative reference and input builder live on the scoring server;
editing this copy changes nothing except your own understanding.
"""

import jax, jax.numpy as jnp
import numpy as np

V = 1000000
D = 64
B = 16384
L = 50


def setup_inputs(seed: int = 0) -> dict:
    key = jax.random.key(seed)
    k1, k2, k3 = jax.random.split(key, 3)
    inp = jax.random.randint(k1, (B, L), 0, V, dtype=jnp.int32)
    # Quantized int8 table (per-row symmetric) + per-row fp32 scales,
    # sized per init_kwargs (num_embeddings=V, embedding_dim=D, mode='int8').
    weight_int8 = jax.random.randint(k2, (V, D), -127, 128, dtype=jnp.int32).astype(jnp.int8)
    weight_scale = (jax.random.uniform(k3, (V,), dtype=jnp.float32) * 0.01 + 1e-4)
    return {"input": inp, "weight_int8": weight_int8, "weight_scale": weight_scale}


def reference(input, weight_int8, weight_scale):
    # int8 mode forward: gather quantized rows + per-row scales,
    # dequantize on the fly, cast to bf16 (scale dtype is float32).
    rows_int8 = jnp.take(weight_int8, input, axis=0)          # [B, L, D] int8
    rows_scale = jnp.take(weight_scale, input, axis=0)        # [B, L] fp32
    out = rows_int8.astype(jnp.float32) * rows_scale[..., None]
    return out.astype(jnp.bfloat16)

if __name__ == "__main__":
    import jax
    _d = setup_inputs()
    print(jax.jit(kernel)(*tuple(_d.values())))

</pallas_src>

<mosaic_0001>
#map = affine_map<(d0, d1) -> (0)>
#map1 = affine_map<(d0, d1) -> (0, 0)>
module attributes {stable_mosaic.version = 14 : i64} {
  func.func @gather_k(%arg0: i32, %arg1: i32, %arg2: memref<819200xi32, #tpu.memory_space<hbm>>, %arg3: memref<1000000x16xi32, #tpu.memory_space<hbm>>, %arg4: memref<1000000xf32, #tpu.memory_space<hbm>>, %arg5: memref<819200x16xi32, #tpu.memory_space<hbm>>, %arg6: memref<819200xf32, #tpu.memory_space<hbm>>, %arg7: memref<25600xi32, #tpu.memory_space<vmem>>, %arg8: memref<2560x16xi32, #tpu.memory_space<vmem>>, %arg9: memref<2560xf32, #tpu.memory_space<vmem>>, %arg10: memref<!tpu.dma_semaphore, #tpu.memory_space<semaphore_mem>>, %arg11: memref<!tpu.dma_semaphore, #tpu.memory_space<semaphore_mem>>) attributes {dimension_semantics = [#tpu.dimension_semantics<core_parallel>, #tpu.dimension_semantics<subcore_parallel>], iteration_bounds = array<i64: 2, 16>, scalar_prefetch = 0 : i64, scratch_operands = 5 : i64, tpu.core_type = #tpu.core_type<sc_vector_subcore>, window_params = [{transform_indices = #map}, {transform_indices = #map1}, {transform_indices = #map}, {transform_indices = #map1}, {transform_indices = #map}]} {
    %mul3A = arith.constant 2 : i32
    %mul3A_0 = arith.muli %arg1, %mul3A : i32
    %add3A = arith.addi %mul3A_0, %arg0 : i32
    %mul3A_1 = arith.constant 25600 : i32
    %mul3A_2 = arith.muli %add3A, %mul3A_1 : i32
    %multiple_of3A = tpu.assume_multiple %mul3A_2, 8 : i32
    "tpu.region"() ({
      %run_scoped3A = tpu.sem_alloc : memref<!tpu.dma_semaphore, #tpu.memory_space<semaphore_mem>>
      %dma_start3A = tpu.memref_slice %arg2[%multiple_of3A] : memref<819200xi32, #tpu.memory_space<hbm>> -> memref<25600xi32, #tpu.memory_space<hbm>>
      %dma_start3A_8 = tpu.memref_slice %arg2[%multiple_of3A] : memref<819200xi32, #tpu.memory_space<hbm>> -> memref<25600xi32, #tpu.memory_space<hbm>>
      tpu.enqueue_dma source(%dma_start3A_8 : memref<25600xi32, #tpu.memory_space<hbm>>) target(%arg7 : memref<25600xi32, #tpu.memory_space<vmem>>) target_semaphore(%run_scoped3A : memref<!tpu.dma_semaphore, #tpu.memory_space<semaphore_mem>>)
      %dma_wait3A = tpu.memref_slice %arg2[%multiple_of3A] : memref<819200xi32, #tpu.memory_space<hbm>> -> memref<25600xi32, #tpu.memory_space<hbm>>
      %dma_wait3A_9 = tpu.memref_slice %arg2[%multiple_of3A] : memref<819200xi32, #tpu.memory_space<hbm>> -> memref<25600xi32, #tpu.memory_space<hbm>>
      tpu.wait_dma2 semaphore(%run_scoped3A : memref<!tpu.dma_semaphore, #tpu.memory_space<semaphore_mem>>) src(%dma_wait3A_9 : memref<25600xi32, #tpu.memory_space<hbm>>) dst(%arg7 : memref<25600xi32, #tpu.memory_space<vmem>>)
      tpu.yield
    }) : () -> ()
    %scan3A = arith.constant 0 : i32
    %scan3A_3 = arith.constant 0 : i32
    %scan3A_4 = arith.constant 10 : i32
    %scan3A_5 = arith.addi %scan3A_3, %scan3A_4 : i32
    %scan3A_6 = arith.constant 1 : i32
    scf.for %scan3A_8 = %scan3A_3 to %scan3A_5 step %scan3A_6  : i32 {
      %mul3A_9 = arith.constant 2560 : i32
      %mul3A_10 = arith.muli %scan3A_8, %mul3A_9 : i32
      %multiple_of3A_11 = tpu.assume_multiple %mul3A_10, 8 : i32
      %dma_start3A = tpu.memref_slice %arg7[%multiple_of3A_11] : memref<25600xi32, #tpu.memory_space<vmem>> -> memref<2560xi32, #tpu.memory_space<vmem>>
      %dma_start3A_12 = arith.constant 0 : i32
      %dma_start3A_13 = arith.constant 0 : i32
      %dma_start3A_14 = tpu.memref_slice %arg3[%dma_start3A_12, %dma_start3A_13] : memref<1000000x16xi32, #tpu.memory_space<hbm>> -> memref<1000000x16xi32, #tpu.memory_space<hbm>>
      tpu.enqueue_indirect_dma source(%dma_start3A_14 : memref<1000000x16xi32, #tpu.memory_space<hbm>>) target(%arg8 : memref<2560x16xi32, #tpu.memory_space<vmem>>) offsets(%dma_start3A : memref<2560xi32, #tpu.memory_space<vmem>>) semaphore(%arg10 : memref<!tpu.dma_semaphore, #tpu.memory_space<semaphore_mem>>)
      %dma_start3A_15 = tpu.memref_slice %arg7[%multiple_of3A_11] : memref<25600xi32, #tpu.memory_space<vmem>> -> memref<2560xi32, #tpu.memory_space<vmem>>
      %dma_start3A_16 = arith.constant 0 : i32
      %dma_start3A_17 = tpu.memref_slice %arg4[%dma_start3A_16] : memref<1000000xf32, #tpu.memory_space<hbm>> -> memref<1000000xf32, #tpu.memory_space<hbm>>
      tpu.enqueue_indirect_dma source(%dma_start3A_17 : memref<1000000xf32, #tpu.memory_space<hbm>>) target(%arg9 : memref<2560xf32, #tpu.memory_space<vmem>>) offsets(%dma_start3A_15 : memref<2560xi32, #tpu.memory_space<vmem>>) semaphore(%arg11 : memref<!tpu.dma_semaphore, #tpu.memory_space<semaphore_mem>>)
      %dma_wait3A = tpu.memref_slice %arg7[%multiple_of3A_11] : memref<25600xi32, #tpu.memory_space<vmem>> -> memref<2560xi32, #tpu.memory_space<vmem>>
      %dma_wait3A_18 = arith.constant 0 : i32
      %dma_wait3A_19 = arith.constant 0 : i32
      %dma_wait3A_20 = tpu.memref_slice %arg3[%dma_wait3A_18, %dma_wait3A_19] : memref<1000000x16xi32, #tpu.memory_space<hbm>> -> memref<1000000x16xi32, #tpu.memory_space<hbm>>
      tpu.wait_indirect_dma semaphore(%arg10 : memref<!tpu.dma_semaphore, #tpu.memory_space<semaphore_mem>>) src(%dma_wait3A_20 : memref<1000000x16xi32, #tpu.memory_space<hbm>>) dst(%arg8 : memref<2560x16xi32, #tpu.memory_space<vmem>>)
      %dma_wait3A_21 = tpu.memref_slice %arg7[%multiple_of3A_11] : memref<25600xi32, #tpu.memory_space<vmem>> -> memref<2560xi32, #tpu.memory_space<vmem>>
      %dma_wait3A_22 = arith.constant 0 : i32
      %dma_wait3A_23 = tpu.memref_slice %arg4[%dma_wait3A_22] : memref<1000000xf32, #tpu.memory_space<hbm>> -> memref<1000000xf32, #tpu.memory_space<hbm>>
      tpu.wait_indirect_dma semaphore(%arg11 : memref<!tpu.dma_semaphore, #tpu.memory_space<semaphore_mem>>) src(%dma_wait3A_23 : memref<1000000xf32, #tpu.memory_space<hbm>>) dst(%arg9 : memref<2560xf32, #tpu.memory_space<vmem>>)
      %add3A_24 = arith.addi %multiple_of3A, %multiple_of3A_11 : i32
      %multiple_of3A_25 = tpu.assume_multiple %add3A_24, 8 : i32
      "tpu.region"() ({
        %run_scoped3A = tpu.sem_alloc : memref<!tpu.dma_semaphore, #tpu.memory_space<semaphore_mem>>
        %dma_start3A_26 = arith.constant 0 : i32
        %dma_start3A_27 = tpu.memref_slice %arg5[%multiple_of3A_25, %dma_start3A_26] : memref<819200x16xi32, #tpu.memory_space<hbm>> -> memref<2560x16xi32, #tpu.memory_space<hbm>>
        %dma_start3A_28 = arith.constant 0 : i32
        %dma_start3A_29 = tpu.memref_slice %arg5[%multiple_of3A_25, %dma_start3A_28] : memref<819200x16xi32, #tpu.memory_space<hbm>> -> memref<2560x16xi32, #tpu.memory_space<hbm>>
        tpu.enqueue_dma source(%arg8 : memref<2560x16xi32, #tpu.memory_space<vmem>>) target(%dma_start3A_29 : memref<2560x16xi32, #tpu.memory_space<hbm>>) target_semaphore(%run_scoped3A : memref<!tpu.dma_semaphore, #tpu.memory_space<semaphore_mem>>)
        %dma_wait3A_30 = arith.constant 0 : i32
        %dma_wait3A_31 = tpu.memref_slice %arg5[%multiple_of3A_25, %dma_wait3A_30] : memref<819200x16xi32, #tpu.memory_space<hbm>> -> memref<2560x16xi32, #tpu.memory_space<hbm>>
        %dma_wait3A_32 = arith.constant 0 : i32
        %dma_wait3A_33 = tpu.memref_slice %arg5[%multiple_of3A_25, %dma_wait3A_32] : memref<819200x16xi32, #tpu.memory_space<hbm>> -> memref<2560x16xi32, #tpu.memory_space<hbm>>
        tpu.wait_dma2 semaphore(%run_scoped3A : memref<!tpu.dma_semaphore, #tpu.memory_space<semaphore_mem>>) src(%arg8 : memref<2560x16xi32, #tpu.memory_space<vmem>>) dst(%dma_wait3A_33 : memref<2560x16xi32, #tpu.memory_space<hbm>>)
        tpu.yield
      }) : () -> ()
      "tpu.region"() ({
        %run_scoped3A = tpu.sem_alloc : memref<!tpu.dma_semaphore, #tpu.memory_space<semaphore_mem>>
        %dma_start3A_26 = tpu.memref_slice %arg6[%multiple_of3A_25] : memref<819200xf32, #tpu.memory_space<hbm>> -> memref<2560xf32, #tpu.memory_space<hbm>>
        %dma_start3A_27 = tpu.memref_slice %arg6[%multiple_of3A_25] : memref<819200xf32, #tpu.memory_space<hbm>> -> memref<2560xf32, #tpu.memory_space<hbm>>
        tpu.enqueue_dma source(%arg9 : memref<2560xf32, #tpu.memory_space<vmem>>) target(%dma_start3A_27 : memref<2560xf32, #tpu.memory_space<hbm>>) target_semaphore(%run_scoped3A : memref<!tpu.dma_semaphore, #tpu.memory_space<semaphore_mem>>)
        %dma_wait3A_28 = tpu.memref_slice %arg6[%multiple_of3A_25] : memref<819200xf32, #tpu.memory_space<hbm>> -> memref<2560xf32, #tpu.memory_space<hbm>>
        %dma_wait3A_29 = tpu.memref_slice %arg6[%multiple_of3A_25] : memref<819200xf32, #tpu.memory_space<hbm>> -> memref<2560xf32, #tpu.memory_space<hbm>>
        tpu.wait_dma2 semaphore(%run_scoped3A : memref<!tpu.dma_semaphore, #tpu.memory_space<semaphore_mem>>) src(%arg9 : memref<2560xf32, #tpu.memory_space<vmem>>) dst(%dma_wait3A_29 : memref<2560xf32, #tpu.memory_space<hbm>>)
        tpu.yield
      }) : () -> ()
    }
    %scan3A_7 = arith.constant 10 : i32
    return
  }
}

module attributes {stable_mosaic.version = 14 : i64} {
  func.func @prep(%arg0: i32, %arg1: memref<8000x64xi8, #tpu.memory_space<vmem>>, %arg2: memref<8000x16xi32, #tpu.memory_space<vmem>>) attributes {dimension_semantics = [#tpu.dimension_semantics<arbitrary>], iteration_bounds = array<i64: 125>, scalar_prefetch = 0 : i64, scratch_operands = 0 : i64, tpu.core_type = #tpu.core_type<tc>, window_params = [{transform_indices = @transform_0, window_bounds = array<i64: 8000, 64>}, {transform_indices = @transform_1, window_bounds = array<i64: 8000, 16>}]} {
    %get3A = arith.constant 0 : index
    %get3A_0 = arith.constant 0 : index
    %get3A_1 = vector.load %arg1[%get3A, %get3A_0] : memref<8000x64xi8, #tpu.memory_space<vmem>>, vector<8000x64xi8>
    %convert_element_type3A = arith.extsi %get3A_1 : vector<8000x64xi8> to vector<8000x64xi32>
    %slice3A = vector.extract_strided_slice %convert_element_type3A {offsets = [0, 0], sizes = [8000, 16], strides = [1, 1]} : vector<8000x64xi32> to vector<8000x16xi32>
    %and3A = arith.constant 255 : i32
    %and3A_2 = vector.broadcast %and3A : i32 to vector<8000x16xi32>
    %and3A_3 = arith.andi %slice3A, %and3A_2 : vector<8000x16xi32>
    %slice3A_4 = vector.extract_strided_slice %convert_element_type3A {offsets = [0, 16], sizes = [8000, 16], strides = [1, 1]} : vector<8000x64xi32> to vector<8000x16xi32>
    %and3A_5 = arith.constant 255 : i32
    %and3A_6 = vector.broadcast %and3A_5 : i32 to vector<8000x16xi32>
    %and3A_7 = arith.andi %slice3A_4, %and3A_6 : vector<8000x16xi32>
    %slice3A_8 = vector.extract_strided_slice %convert_element_type3A {offsets = [0, 32], sizes = [8000, 16], strides = [1, 1]} : vector<8000x64xi32> to vector<8000x16xi32>
    %and3A_9 = arith.constant 255 : i32
    %and3A_10 = vector.broadcast %and3A_9 : i32 to vector<8000x16xi32>
    %and3A_11 = arith.andi %slice3A_8, %and3A_10 : vector<8000x16xi32>
    %slice3A_12 = vector.extract_strided_slice %convert_element_type3A {offsets = [0, 48], sizes = [8000, 16], strides = [1, 1]} : vector<8000x64xi32> to vector<8000x16xi32>
    %shift_left3A = arith.constant 8 : i32
    %shift_left3A_13 = vector.broadcast %shift_left3A : i32 to vector<8000x16xi32>
    %shift_left3A_14 = arith.shli %and3A_7, %shift_left3A_13 : vector<8000x16xi32>
    %add3A = arith.addi %and3A_3, %shift_left3A_14 : vector<8000x16xi32>
    %shift_left3A_15 = arith.constant 16 : i32
    %shift_left3A_16 = vector.broadcast %shift_left3A_15 : i32 to vector<8000x16xi32>
    %shift_left3A_17 = arith.shli %and3A_11, %shift_left3A_16 : vector<8000x16xi32>
    %shift_left3A_18 = arith.constant 24 : i32
    %shift_left3A_19 = vector.broadcast %shift_left3A_18 : i32 to vector<8000x16xi32>
    %shift_left3A_20 = arith.shli %slice3A_12, %shift_left3A_19 : vector<8000x16xi32>
    %add3A_21 = arith.addi %shift_left3A_17, %shift_left3A_20 : vector<8000x16xi32>
    %add3A_22 = arith.addi %add3A, %add3A_21 : vector<8000x16xi32>
    %swap3A = arith.constant 0 : index
    %swap3A_23 = arith.constant 0 : index
    %swap3A_24 = vector.load %arg2[%swap3A, %swap3A_23] : memref<8000x16xi32, #tpu.memory_space<vmem>>, vector<8000x16xi32>
    tpu.vector_store %arg2[%swap3A, %swap3A_23], %add3A_22 {strides = array<i32>} : memref<8000x16xi32, #tpu.memory_space<vmem>>, vector<8000x16xi32>,
    return
  }
  func.func @transform_0(%arg0: i32) -> (i32, i32) {
    %c0_i32 = arith.constant 0 : i32
    %c0_i32_0 = arith.constant 0 : i32
    return %arg0, %c0_i32 : i32, i32
  }
  func.func @transform_1(%arg0: i32) -> (i32, i32) {
    %c0_i32 = arith.constant 0 : i32
    %c0_i32_0 = arith.constant 0 : i32
    return %arg0, %c0_i32 : i32, i32
  }
}

module attributes {stable_mosaic.version = 14 : i64} {
  func.func @dq(%arg0: i32, %arg1: memref<400x128xi32, #tpu.memory_space<vmem>>, %arg2: memref<3200x1xf32, #tpu.memory_space<vmem>>, %arg3: memref<64x50x64xbf16, #tpu.memory_space<vmem>>) attributes {dimension_semantics = [#tpu.dimension_semantics<arbitrary>], iteration_bounds = array<i64: 256>, scalar_prefetch = 0 : i64, scratch_operands = 0 : i64, tpu.core_type = #tpu.core_type<tc>, window_params = [{transform_indices = @transform_0, window_bounds = array<i64: 400, 128>}, {transform_indices = @transform_1, window_bounds = array<i64: 3200, 1>}, {transform_indices = @transform_2, window_bounds = array<i64: 64, 50, 64>}]} {
    %get3A = arith.constant 0 : index
    %get3A_0 = arith.constant 0 : index
    %get3A_1 = vector.load %arg1[%get3A, %get3A_0] : memref<400x128xi32, #tpu.memory_space<vmem>>, vector<400x128xi32>
    %shift_left3A = arith.constant 24 : i32
    %shift_left3A_2 = vector.broadcast %shift_left3A : i32 to vector<400x128xi32>
    %shift_left3A_3 = arith.shli %get3A_1, %shift_left3A_2 : vector<400x128xi32>
    %shift_right_arithmetic3A = arith.constant 24 : i32
    %shift_right_arithmetic3A_4 = vector.broadcast %shift_right_arithmetic3A : i32 to vector<400x128xi32>
    %shift_right_arithmetic3A_5 = arith.shrsi %shift_left3A_3, %shift_right_arithmetic3A_4 : vector<400x128xi32>
    %shift_left3A_6 = arith.constant 16 : i32
    %shift_left3A_7 = vector.broadcast %shift_left3A_6 : i32 to vector<400x128xi32>
    %shift_left3A_8 = arith.shli %get3A_1, %shift_left3A_7 : vector<400x128xi32>
    %shift_right_arithmetic3A_9 = arith.constant 24 : i32
    %shift_right_arithmetic3A_10 = vector.broadcast %shift_right_arithmetic3A_9 : i32 to vector<400x128xi32>
    %shift_right_arithmetic3A_11 = arith.shrsi %shift_left3A_8, %shift_right_arithmetic3A_10 : vector<400x128xi32>
    %shift_left3A_12 = arith.constant 8 : i32
    %shift_left3A_13 = vector.broadcast %shift_left3A_12 : i32 to vector<400x128xi32>
    %shift_left3A_14 = arith.shli %get3A_1, %shift_left3A_13 : vector<400x128xi32>
    %shift_right_arithmetic3A_15 = arith.constant 24 : i32
    %shift_right_arithmetic3A_16 = vector.broadcast %shift_right_arithmetic3A_15 : i32 to vector<400x128xi32>
    %shift_right_arithmetic3A_17 = arith.shrsi %shift_left3A_14, %shift_right_arithmetic3A_16 : vector<400x128xi32>
    %shift_right_arithmetic3A_18 = arith.constant 24 : i32
    %shift_right_arithmetic3A_19 = vector.broadcast %shift_right_arithmetic3A_18 : i32 to vector<400x128xi32>
    %shift_right_arithmetic3A_20 = arith.shrsi %get3A_1, %shift_right_arithmetic3A_19 : vector<400x128xi32>
    %slice3A = vector.extract_strided_slice %shift_right_arithmetic3A_5 {offsets = [0, 0], sizes = [400, 16], strides = [1, 1]} : vector<400x128xi32> to vector<400x16xi32>
    %slice3A_21 = vector.extract_strided_slice %shift_right_arithmetic3A_11 {offsets = [0, 0], sizes = [400, 16], strides = [1, 1]} : vector<400x128xi32> to vector<400x16xi32>
    %slice3A_22 = vector.extract_strided_slice %shift_right_arithmetic3A_17 {offsets = [0, 0], sizes = [400, 16], strides = [1, 1]} : vector<400x128xi32> to vector<400x16xi32>
    %slice3A_23 = vector.extract_strided_slice %shift_right_arithmetic3A_20 {offsets = [0, 0], sizes = [400, 16], strides = [1, 1]} : vector<400x128xi32> to vector<400x16xi32>
    %concatenate3A = tpu.concatenate %slice3A, %slice3A_21, %slice3A_22, %slice3A_23 in 1 : vector<400x16xi32>, vector<400x16xi32>, vector<400x16xi32>, vector<400x16xi32> -> vector<400x64xi32>
    %broadcast_in_dim3A = vector.shape_cast %concatenate3A : vector<400x64xi32> to vector<400x1x64xi32>
    %slice3A_24 = vector.extract_strided_slice %shift_right_arithmetic3A_5 {offsets = [0, 16], sizes = [400, 16], strides = [1, 1]} : vector<400x128xi32> to vector<400x16xi32>
    %slice3A_25 = vector.extract_strided_slice %shift_right_arithmetic3A_11 {offsets = [0, 16], sizes = [400, 16], strides = [1, 1]} : vector<400x128xi32> to vector<400x16xi32>
    %slice3A_26 = vector.extract_strided_slice %shift_right_arithmetic3A_17 {offsets = [0, 16], sizes = [400, 16], strides = [1, 1]} : vector<400x128xi32> to vector<400x16xi32>
    %slice3A_27 = vector.extract_strided_slice %shift_right_arithmetic3A_20 {offsets = [0, 16], sizes = [400, 16], strides = [1, 1]} : vector<400x128xi32> to vector<400x16xi32>
    %concatenate3A_28 = tpu.concatenate %slice3A_24, %slice3A_25, %slice3A_26, %slice3A_27 in 1 : vector<400x16xi32>, vector<400x16xi32>, vector<400x16xi32>, vector<400x16xi32> -> vector<400x64xi32>
    %broadcast_in_dim3A_29 = vector.shape_cast %concatenate3A_28 : vector<400x64xi32> to vector<400x1x64xi32>
    %slice3A_30 = vector.extract_strided_slice %shift_right_arithmetic3A_5 {offsets = [0, 32], sizes = [400, 16], strides = [1, 1]} : vector<400x128xi32> to vector<400x16xi32>
    %slice3A_31 = vector.extract_strided_slice %shift_right_arithmetic3A_11 {offsets = [0, 32], sizes = [400, 16], strides = [1, 1]} : vector<400x128xi32> to vector<400x16xi32>
    %slice3A_32 = vector.extract_strided_slice %shift_right_arithmetic3A_17 {offsets = [0, 32], sizes = [400, 16], strides = [1, 1]} : vector<400x128xi32> to vector<400x16xi32>
    %slice3A_33 = vector.extract_strided_slice %shift_right_arithmetic3A_20 {offsets = [0, 32], sizes = [400, 16], strides = [1, 1]} : vector<400x128xi32> to vector<400x16xi32>
    %concatenate3A_34 = tpu.concatenate %slice3A_30, %slice3A_31, %slice3A_32, %slice3A_33 in 1 : vector<400x16xi32>, vector<400x16xi32>, vector<400x16xi32>, vector<400x16xi32> -> vector<400x64xi32>
    %broadcast_in_dim3A_35 = vector.shape_cast %concatenate3A_34 : vector<400x64xi32> to vector<400x1x64xi32>
    %slice3A_36 = vector.extract_strided_slice %shift_right_arithmetic3A_5 {offsets = [0, 48], sizes = [400, 16], strides = [1, 1]} : vector<400x128xi32> to vector<400x16xi32>
    %slice3A_37 = vector.extract_strided_slice %shift_right_arithmetic3A_11 {offsets = [0, 48], sizes = [400, 16], strides = [1, 1]} : vector<400x128xi32> to vector<400x16xi32>
    %slice3A_38 = vector.extract_strided_slice %shift_right_arithmetic3A_17 {offsets = [0, 48], sizes = [400, 16], strides = [1, 1]} : vector<400x128xi32> to vector<400x16xi32>
    %slice3A_39 = vector.extract_strided_slice %shift_right_arithmetic3A_20 {offsets = [0, 48], sizes = [400, 16], strides = [1, 1]} : vector<400x128xi32> to vector<400x16xi32>
    %concatenate3A_40 = tpu.concatenate %slice3A_36, %slice3A_37, %slice3A_38, %slice3A_39 in 1 : vector<400x16xi32>, vector<400x16xi32>, vector<400x16xi32>, vector<400x16xi32> -> vector<400x64xi32>
    %broadcast_in_dim3A_41 = vector.shape_cast %concatenate3A_40 : vector<400x64xi32> to vector<400x1x64xi32>
    %slice3A_42 = vector.extract_strided_slice %shift_right_arithmetic3A_5 {offsets = [0, 64], sizes = [400, 16], strides = [1, 1]} : vector<400x128xi32> to vector<400x16xi32>
    %slice3A_43 = vector.extract_strided_slice %shift_right_arithmetic3A_11 {offsets = [0, 64], sizes = [400, 16], strides = [1, 1]} : vector<400x128xi32> to vector<400x16xi32>
    %slice3A_44 = vector.extract_strided_slice %shift_right_arithmetic3A_17 {offsets = [0, 64], sizes = [400, 16], strides = [1, 1]} : vector<400x128xi32> to vector<400x16xi32>
    %slice3A_45 = vector.extract_strided_slice %shift_right_arithmetic3A_20 {offsets = [0, 64], sizes = [400, 16], strides = [1, 1]} : vector<400x128xi32> to vector<400x16xi32>
    %concatenate3A_46 = tpu.concatenate %slice3A_42, %slice3A_43, %slice3A_44, %slice3A_45 in 1 : vector<400x16xi32>, vector<400x16xi32>, vector<400x16xi32>, vector<400x16xi32> -> vector<400x64xi32>
    %broadcast_in_dim3A_47 = vector.shape_cast %concatenate3A_46 : vector<400x64xi32> to vector<400x1x64xi32>
    %slice3A_48 = vector.extract_strided_slice %shift_right_arithmetic3A_5 {offsets = [0, 80], sizes = [400, 16], strides = [1, 1]} : vector<400x128xi32> to vector<400x16xi32>
    %slice3A_49 = vector.extract_strided_slice %shift_right_arithmetic3A_11 {offsets = [0, 80], sizes = [400, 16], strides = [1, 1]} : vector<400x128xi32> to vector<400x16xi32>
    %slice3A_50 = vector.extract_strided_slice %shift_right_arithmetic3A_17 {offsets = [0, 80], sizes = [400, 16], strides = [1, 1]} : vector<400x128xi32> to vector<400x16xi32>
    %slice3A_51 = vector.extract_strided_slice %shift_right_arithmetic3A_20 {offsets = [0, 80], sizes = [400, 16], strides = [1, 1]} : vector<400x128xi32> to vector<400x16xi32>
    %concatenate3A_52 = tpu.concatenate %slice3A_48, %slice3A_49, %slice3A_50, %slice3A_51 in 1 : vector<400x16xi32>, vector<400x16xi32>, vector<400x16xi32>, vector<400x16xi32> -> vector<400x64xi32>
    %broadcast_in_dim3A_53 = vector.shape_cast %concatenate3A_52 : vector<400x64xi32> to vector<400x1x64xi32>
    %slice3A_54 = vector.extract_strided_slice %shift_right_arithmetic3A_5 {offsets = [0, 96], sizes = [400, 16], strides = [1, 1]} : vector<400x128xi32> to vector<400x16xi32>
    %slice3A_55 = vector.extract_strided_slice %shift_right_arithmetic3A_11 {offsets = [0, 96], sizes = [400, 16], strides = [1, 1]} : vector<400x128xi32> to vector<400x16xi32>
    %slice3A_56 = vector.extract_strided_slice %shift_right_arithmetic3A_17 {offsets = [0, 96], sizes = [400, 16], strides = [1, 1]} : vector<400x128xi32> to vector<400x16xi32>
    %slice3A_57 = vector.extract_strided_slice %shift_right_arithmetic3A_20 {offsets = [0, 96], sizes = [400, 16], strides = [1, 1]} : vector<400x128xi32> to vector<400x16xi32>
    %concatenate3A_58 = tpu.concatenate %slice3A_54, %slice3A_55, %slice3A_56, %slice3A_57 in 1 : vector<400x16xi32>, vector<400x16xi32>, vector<400x16xi32>, vector<400x16xi32> -> vector<400x64xi32>
    %broadcast_in_dim3A_59 = vector.shape_cast %concatenate3A_58 : vector<400x64xi32> to vector<400x1x64xi32>
    %slice3A_60 = vector.extract_strided_slice %shift_right_arithmetic3A_5 {offsets = [0, 112], sizes = [400, 16], strides = [1, 1]} : vector<400x128xi32> to vector<400x16xi32>
    %slice3A_61 = vector.extract_strided_slice %shift_right_arithmetic3A_11 {offsets = [0, 112], sizes = [400, 16], strides = [1, 1]} : vector<400x128xi32> to vector<400x16xi32>
    %slice3A_62 = vector.extract_strided_slice %shift_right_arithmetic3A_17 {offsets = [0, 112], sizes = [400, 16], strides = [1, 1]} : vector<400x128xi32> to vector<400x16xi32>
    %slice3A_63 = vector.extract_strided_slice %shift_right_arithmetic3A_20 {offsets = [0, 112], sizes = [400, 16], strides = [1, 1]} : vector<400x128xi32> to vector<400x16xi32>
    %concatenate3A_64 = tpu.concatenate %slice3A_60, %slice3A_61, %slice3A_62, %slice3A_63 in 1 : vector<400x16xi32>, vector<400x16xi32>, vector<400x16xi32>, vector<400x16xi32> -> vector<400x64xi32>
    %broadcast_in_dim3A_65 = vector.shape_cast %concatenate3A_64 : vector<400x64xi32> to vector<400x1x64xi32>
    %concatenate3A_66 = tpu.concatenate %broadcast_in_dim3A, %broadcast_in_dim3A_29, %broadcast_in_dim3A_35, %broadcast_in_dim3A_41, %broadcast_in_dim3A_47, %broadcast_in_dim3A_53, %broadcast_in_dim3A_59, %broadcast_in_dim3A_65 in 1 : vector<400x1x64xi32>, vector<400x1x64xi32>, vector<400x1x64xi32>, vector<400x1x64xi32>, vector<400x1x64xi32>, vector<400x1x64xi32>, vector<400x1x64xi32>, vector<400x1x64xi32> -> vector<400x8x64xi32>
    %reshape3A = vector.shape_cast %concatenate3A_66 : vector<400x8x64xi32> to vector<3200x64xi32>
    %convert_element_type3A = arith.sitofp %reshape3A : vector<3200x64xi32> to vector<3200x64xf32>
    %get3A_67 = arith.constant 0 : index
    %get3A_68 = arith.constant 0 : index
    %get3A_69 = vector.load %arg2[%get3A_67, %get3A_68] : memref<3200x1xf32, #tpu.memory_space<vmem>>, vector<3200x1xf32>
    %mul3A = vector.broadcast %get3A_69 : vector<3200x1xf32> to vector<3200x64xf32>
    %mul3A_70 = arith.mulf %convert_element_type3A, %mul3A : vector<3200x64xf32>
    %convert_element_type3A_71 = arith.truncf %mul3A_70 : vector<3200x64xf32> to vector<3200x64xbf16>
    %reshape3A_72 = vector.shape_cast %convert_element_type3A_71 : vector<3200x64xbf16> to vector<64x50x64xbf16>
    %swap3A = arith.constant 0 : index
    %swap3A_73 = arith.constant 0 : index
    %swap3A_74 = arith.constant 0 : index
    %swap3A_75 = vector.load %arg3[%swap3A, %swap3A_73, %swap3A_74] : memref<64x50x64xbf16, #tpu.memory_space<vmem>>, vector<64x50x64xbf16>
    tpu.vector_store %arg3[%swap3A, %swap3A_73, %swap3A_74], %reshape3A_72 {strides = array<i32>} : memref<64x50x64xbf16, #tpu.memory_space<vmem>>, vector<64x50x64xbf16>,
    return
  }
  func.func @transform_0(%arg0: i32) -> (i32, i32) {
    %c0_i32 = arith.constant 0 : i32
    %c0_i32_0 = arith.constant 0 : i32
    return %arg0, %c0_i32 : i32, i32
  }
  func.func @transform_1(%arg0: i32) -> (i32, i32) {
    %c0_i32 = arith.constant 0 : i32
    %c0_i32_0 = arith.constant 0 : i32
    return %arg0, %c0_i32 : i32, i32
  }
  func.func @transform_2(%arg0: i32) -> (i32, i32, i32) {
    %c0_i32 = arith.constant 0 : i32
    %c0_i32_0 = arith.constant 0 : i32
    %c0_i32_1 = arith.constant 0 : i32
    return %arg0, %c0_i32, %c0_i32_0 : i32, i32, i32
  }
}

</mosaic_0001>

<sc_bundles>
// kernel: kernel.5.cloned.1.call-start
scs
__scs_entry_jumppad:
0x0: {  	(pc) =	sbr.rel $0x88, $3  }
0x1: {  	(tag) =	ssettag $0x0;
	lr =	simm.s32 $0x1  }
0x2: {  	[smem:$0x3F9E] =	sst lr;
	_ =	strace $0xD0000000  }
0x3: {  	_ = 	snop  }
0x4: {  	_ = 	snop  }
0x5: {  	_ = 	snop  }
0x6: {  	_ = 	snop  }
0x7: {  	_ = 	snop  }
__scs_overlays_trampoline_lowered:
0x8: {  	[smem:$0x3FAD] =	sst s0  }
0x9: {  	[smem:$0x3FAE] =	sst s1  }
0xa: {  	[smem:$0x3FAF] =	sst s2  }
0xb: {  	[smem:$0x3FB0] =	sst s3  }
0xc: {  	[smem:$0x3FB1] =	sst s4  }
0xd: {  	[smem:$0x3FB2] =	sst s5  }
0xe: {  	[smem:$0x3FB3] =	sst s6  }
0xf: {  	[smem:$0x3FB4] =	sst s7  }
0x10: {  	[smem:$0x3FB5] =	sst s8  }
0x11: {  	[smem:$0x3FB6] =	sst s9;
	s0 =	simm.s32 @!p0 $0x0  }
0x12: {  	s1 =	sld [smem:$0x3F9C];
	s0 =	simm.s32 @p0 $0x1  }
0x13: {  	[smem:$0x3FB7] =	sst s0;
	s0 =	simm.s32 @!p1 $0x0  }
0x14: {  	s2 =	sld [smem:$0x3F9B];
	s0 =	simm.s32 @p1 $0x1  }
0x15: {  	[smem:$0x3FB8] =	sst s0;
	s0 =	simm.s32 @!p2 $0x0  }
0x16: {  	s3 =	sld [smem:$0x3FDB];
	s0 =	simm.s32 @p2 $0x1  }
0x17: {  	s4 =	simm.s32 $0x1BF5;
	[smem:$0x3FBA] =	sst s0  }
0x18: {  	s0 =	sld [smem:$0x3F9D];
	_ =	swait.ge [sflag:s4], $0x0  }
0x19: {  	s7 =	sld [smem:$0x3F9E]  }
0x1a: {  	s8 =	sadd.s32 $0xFFFFE003, lr  }
0x1b: {  	s9 =	sadd.s32 $0xFFFFFEF7, lr;
	s5 =	simm.s32 $0xFFFFFFFF;
	p2 =	slt.u32 s8, $0xFFFFF086  }
0x1c: {  	p1 =	slt.u32 s9, $0xF7A;
	s5 =	simm.s32 @!p2 $0x0  }
0x1d: {  	s5 =	simm.s32 @p1 $0x1;
	p0 =	seq.s32 s7, s2  }
0x1e: {  	s7 =	smul.u32 @!p0 $0xF7A, s2;
	p2 =	seq.s32 @!p0 s5, $0x0  }
0x1f: {  	s9 =	smul.u32 $0xF7A, s1;
	s8 =	simm.s32 @!p0 $0x1BF5;
	p2 =	por !p2, p0  }
0x20: {  	[sflag:s8] =	ssyncset.s32 @!p0 $0xFFFFF086;
	s6 =	sadd.s32 @!p0 s3, s7;
	s7 =	simm.s32 @!p0 $0x108  }
0x21: {  	s3 =	sadd.s32 s3, s9;
	s6 =	sadd.s32 @!p0 $0x88, s6;
	s7 =	simm.s32 @p2 $0x1082  }
0x22: {  	[simem:s7], [sflag:s8] =	dma.local @!p0 [hbm:s6], $0xF7A  }
0x23: {  	s9 =	sor.u32 $0xD0000000, s2;
	s6 =	simm.s32 $0x108;
	_ =	swait.ge @!p0 [sflag:s8], $0x0  }
0x24: {  	s3 =	sadd.s32 $0x88, s3;
	s6 =	simm.s32 @!p1 $0x1082;
	[sflag:s4] =	ssyncset.s32 $0xFFFFF086  }
0x25: {  	[simem:s6], [sflag:s4] =	dma.local [hbm:s3], $0xF7A  }
0x26: {  	[smem:$0x3F9E] =	sst s1;
	(tag) =	ssettag s2;
	_ =	strace s9  }
0x27: {  	s1 =	sld [smem:$0x3FAE]  }
0x28: {  	s2 =	sld [smem:$0x3FAF]  }
0x29: {  	s4 =	sld [smem:$0x3FB1]  }
0x2a: {  	p0 =	seq.s32 s5, $0x0;
	s5 =	sld [smem:$0x3FB2]  }
0x2b: {  	s6 =	sld [smem:$0x3FB3]  }
0x2c: {  	s7 =	sld [smem:$0x3FB4]  }
0x2d: {  	s3 =	simm.s32 $0x108;
	s8 =	sld [smem:$0x3FB5]  }
0x2e: {  	s3 =	simm.s32 @!p0 $0x1082;
	s9 =	sld [smem:$0x3FB6]  }
0x2f: {  	lr =	sadd.s32 s0, s3;
	s0 =	sld [smem:$0x3FAD]  }
0x30: {  	s3 =	sld [smem:$0x3FB0]  }
0x31: {  	[smem:$0x3FB9] =	sst s10  }
0x32: {  	s10 =	sld [smem:$0x3FB7];
	_ =	sdelay $0x3  }
0x33: {  	p0 =	seq.s32 s10, $0x1;
	s10 =	sld [smem:$0x3FB9];
	_ =	sdelay $0x3  }
0x34: {  	[smem:$0x3FB9] =	sst s10  }
0x35: {  	s10 =	sld [smem:$0x3FB8];
	_ =	sdelay $0x3  }
0x36: {  	p1 =	seq.s32 s10, $0x1;
	s10 =	sld [smem:$0x3FB9];
	_ =	sdelay $0x3  }
0x37: {  	[smem:$0x3FB9] =	sst s10  }
0x38: {  	s10 =	sld [smem:$0x3FBA]  }
0x39: {  	_ = 	snop;
	(pc) =	sbr.ind lr, $3  }
0x3a: {  	_ = 	snop  }
0x3b: {  	_ = 	snop  }
0x3c: {  	p2 =	seq.s32 s10, $0x1;
	s10 =	sld [smem:$0x3FB9]  }
0x3d: {  	_ =	shalt  }
0x3e: {  	_ =	shalt  }
0x3f: {  	_ =	shalt  }
0x40: {  	_ =	shalt  }
0x41: {  	_ =	shalt  }
0x42: {  	_ =	shalt  }
0x43: {  	_ =	shalt  }
0x44: {  	_ =	shalt  }
0x45: {  	_ =	shalt  }
0x46: {  	_ =	shalt  }
0x47: {  	_ =	shalt  }
0x48: {  	_ =	shalt  }
0x49: {  	_ =	shalt  }
0x4a: {  	_ =	shalt  }
0x4b: {  	_ =	shalt  }
0x4c: {  	_ =	shalt  }
0x4d: {  	_ =	shalt  }
0x4e: {  	_ =	shalt  }
0x4f: {  	_ =	shalt  }
0x50: {  	_ =	shalt  }
0x51: {  	_ =	shalt  }
0x52: {  	_ =	shalt  }
0x53: {  	_ =	shalt  }
0x54: {  	_ =	shalt  }
0x55: {  	_ =	shalt  }
0x56: {  	_ =	shalt  }
0x57: {  	_ =	shalt  }
0x58: {  	_ =	shalt  }
0x59: {  	_ =	shalt  }
0x5a: {  	_ =	shalt  }
0x5b: {  	_ =	shalt  }
0x5c: {  	_ =	shalt  }
0x5d: {  	_ =	shalt  }
0x5e: {  	_ =	shalt  }
0x5f: {  	_ =	shalt  }
0x60: {  	_ =	shalt  }
0x61: {  	_ =	shalt  }
0x62: {  	_ =	shalt  }
0x63: {  	_ =	shalt  }
0x64: {  	_ =	shalt  }
0x65: {  	_ =	shalt  }
0x66: {  	_ =	shalt  }
0x67: {  	_ =	shalt  }
0x68: {  	_ =	shalt  }
0x69: {  	_ =	shalt  }
0x6a: {  	_ =	shalt  }
0x6b: {  	_ =	shalt  }
0x6c: {  	_ =	shalt  }
0x6d: {  	_ =	shalt  }
0x6e: {  	_ =	shalt  }
0x6f: {  	_ =	shalt  }
0x70: {  	_ =	shalt  }
0x71: {  	_ =	shalt  }
0x72: {  	_ =	shalt  }
0x73: {  	_ =	shalt  }
0x74: {  	_ =	shalt  }
0x75: {  	_ =	shalt  }
0x76: {  	_ =	shalt  }
0x77: {  	_ =	shalt  }
0x78: {  	_ =	shalt  }
0x79: {  	_ =	shalt  }
0x7a: {  	_ =	shalt  }
0x7b: {  	_ =	shalt  }
0x7c: {  	_ =	shalt  }
0x7d: {  	_ =	shalt  }
0x7e: {  	_ =	shalt  }
0x7f: {  	_ =	shalt  }
0x80: {  	_ =	shalt  }
0x81: {  	_ =	shalt  }
0x82: {  	_ =	shalt  }
0x83: {  	_ =	shalt  }
0x84: {  	_ =	shalt  }
0x85: {  	_ =	shalt  }
0x86: {  	_ =	shalt  }
0x87: {  	_ =	shalt  }
.Lfunc_end0:
.L_simem_size_0:
called_computation_lowered:
.L_overlay_start_0:
0x88: {  	s2 =	sld [smem:$0x3FD9]  }
0x89: {  	s3 =	sld [smem:$0x3FFE];
	_ =	sdelay $0x1  }
0x8a: {  	s1 =	srdreg.scid  }
0x8b: {  	s0 =	sand.u32 $0x1, s1  }
0x8c: {  	s17 =	sshll.u32 s0, $0xA;
	s2 =	sadd.s32 s3, s2  }
0x8d: {  	s2 =	sadd.s32 s2, s17  }
0x8e: {  	[smem:$0x3FC5] =	sst s2  }
0x8f: {  	_ = 	snop  }
0x90: {  	s2 =	sld [smem:$0x3FC7]  }
0x91: {  	s18 =	sld [smem:$0x3FD0];
	(tm) =	ssettm $0x1  }
0x92: {  	s4 =	sld [smem:$0x3FFB];
	_ =	sdelay $0x3  }
0x93: {  	_ =	strace s4  }
0x94: {  	s4 =	sld [smem:$0x3FFC];
	_ =	sdelay $0x3  }
0x95: {  	_ =	strace s4  }
0x96: {  	s4 =	sld [smem:$0x3FFD];
	_ =	sdelay $0x3  }
0x97: {  	_ =	strace s4  }
0x98: {  	_ =	strace $0x8FFFFFFF  }
0x99: {  	s19 =	sld [smem:$0x3FDB];
	_ =	sdelay $0x1  }
0x9a: {  	s5 =	simm.s32 $_scs_section_size  }
0x9b: {  	s6 =	simm.s32 $_size__tile_overlayer_lowered;
	s7 =	simm.s32 $_tile_overlayer_lowered  }
0x9c: {  	s22 =	simm.s32 $0x1BFF;
	s21 =	sshll.u32 s7, $0x1;
	s4 =	sadd.s32 s5, s19  }
0x9d: {  	s8 =	simm.s32 $0x0;
	s20 =	sshll.u32 s6, $0x1;
	s6 =	sadd.s32 s21, s4  }
0x9e: {  	[timem:s8], [sflag:s22] =	dma.local [hbm:s6], s20  }
0x9f: {  	_ =	swait.ge [sflag:s22], s20  }
0xa0: {  	s5 =	ssub.s32 $0x0, s20;
	[sflag:s22] =	ssyncset.done $0x0  }
0xa1: {  	[sflag:s22] =	ssyncadd.s32 s5;
	_ =	sdelay $0x1  }
0xa2: {  	s23 =	simm.s32 $0x1B8B  }
0xa3: {  	_ =	swait.ge [sflag:s23], $0x1  }
0xa4: {  	[sflag:s23] =	ssyncset.done $0x0  }
0xa5: {  	s25 =	simm.s32 $0x1B8E;
	s24 =	sld [smem:$0x3FFE];
	[sflag:s23] =	ssyncadd.s32 $0xFFFFFFFF  }
0xa6: {  	s26 =	simm.s32 $execute0_lowered;
	[smem:$0x3FD2] =	sst s25  }
0xa7: {  	s6 =	sshll.u32 s26, $0x1;
	_ =	strace $0x80000046;
	[dreg:$0x1] =	wrdreg $0xFFFFFFFF  }
0xa8: {  	s28 =	simm.s32 $_size_execute0_lowered;
	s4 =	sadd.s32 s4, s6;
	[dreg:$0x0] =	wrdreg $0x0  }
0xa9: {  	s6 =	sshll.u32 s28, $0x1;
	[dreg:$0x2] =	wrdreg s4  }
0xaa: {  	[dreg:$0x3] =	wrdreg s6  }
0xab: {  	[dreg:$0x4] =	wrdreg $0xC0  }
0xac: {  	_ =	task [dreg:s8], $0x5FFFF  }
0xad: {  	[dreg:$0x1] =	wrdreg $0xFFFFFFFF  }
0xae: {  	[dreg:$0x0] =	wrdreg $0x60  }
0xaf: {  	[dreg:$0x2] =	wrdreg s24  }
0xb0: {  	[dreg:$0x3] =	wrdreg s18  }
0xb1: {  	[dreg:$0x4] =	wrdreg s2  }
0xb2: {  	[dreg:$0x5] =	wrdreg $0x9  }
0xb3: {  	_ =	task.clear_ibuf [dreg:s8], $0x6FFFF;
	_ =	strace $0x90000046  }
0xb4: {  	s29 =	simm.s32 $0x9;
	_ =	strace $0x80000048  }
0xb5: {  	_ =	swait.ge [sflag:s29], $0x1  }
0xb6: {  	[sflag:s29] =	ssyncadd.s32 $0xFFFFFFFF  }
0xb7: {  	_ =	strace $0x90000048  }
0xb8: {  	_ =	sfence  }
0xb9: {  	s30 =	sld [smem:$0x0];
	_ =	sdelay $0x2  }
0xba: {  	s31 =	sshll.u32 s1, $0xD;
	s1 =	sshrl.u32 s1, $0x2  }
0xbb: {  	s3 =	sand.u32 $0x4000, s31;
	s1 =	sadd.s32 s1, s30  }
0xbc: {  	s0 =	sor.u32 s3, s0;
	s1 =	sshll.u32 s1, $0x11  }
0xbd: {  	s0 =	sor.u32 s1, s0  }
0xbe: {  	s0 =	sadd.s32 $0x8F2B, s0  }
0xbf: {  	[sflag:s0] =	ssyncadd.remote.s32 $0x1  }
0xc0: {  	_ =	sfence.sel $0xFFFF  }
0xc1: {  	[dreg:$0x0] =	wrdreg $0xFFFFFFFF;
	(pc) =	sbr.abs _section_cstart, $3  }
0xc2: {  	[dreg:$0x1] =	wrdreg $0xFFFFFFFF  }
0xc3: {  	_ =	task.clear_ibuf [dreg:s8], $0x2FFFF;
	_ =	strace $0x9FFFFFFF  }
0xc4: {  	(tm) =	ssettm $0x7FFFFFFF  }
0xc5: {  	_ =	shalt  }
tec
execute0_lowered:
.L_overlay_start_1:
0x0: {  	(tag) =	ssettag $0x1  }
0x1: {  	s5 =	rddreg [dreg:$0x0]  }
0x2: {  	s1 =	srdreg.scid;
	s2 =	rddreg [dreg:$0x1]  }
0x3: {  	s0 =	stileid.u32;
	s3 =	rddreg [dreg:$0x2]  }
0x4: {  	s4 =	simm.s32 $0x0;
	s13 =	simm.s32 $0x1;
	s8 =	smul.u32 $0xC800, s0  }
0x5: {  	s14 =	simm.s32 $0x2;
	s6 =	sand.u32 $0x1, s1;
	s10 =	smul.u32 $0x19000, s0  }
0x6: {  	s15 =	simm.s32 $0x0;
	s28 =	sshll.u32 s0, $0x1;
	s9 =	smul.u32 $0x6400, s6  }
0x7: {  	[smem:$0x7FF] =	sst s4;
	s1 =	sor.u32 s6, s28;
	s12 =	smul.u32 $0xC800, s6  }
0x8: {  	s29 =	ssub.s32 $0x2, s6;
	s7 =	smul.u32 $0x6400, s1;
	s1 =	rddreg [dreg:$0x3]  }
0x9: {  	_ =	strace $0x80000047;
	s11 =	sshrl.u32 s29, $0x1;
	s10 =	sadd.s32 s10, s5  }
0xa: {  	s8 =	sadd.s32 s9, s8;
	s30 =	ssub.s32 s29, s11;
	s31 =	sadd.s32 s12, s10  }
0xb: {  	s9 =	simm.s32 $0x3;
	s10 =	simm.s32 $0xA00;
	s11 =	simm.s32 $0x6400  }
0xc: {  	s12 =	simm.s32 $0x10400;
	s7 =	sshrl.u32 s7, $0x3;
	s8 =	sshrl.u32 s8, $0x3  }
0xd: {  	s6 =	smax.u32 s30, $0x1;
	s7 =	sadd.s32 s7, s5;
	s8 =	sadd.s32 s8, s5  }
0xe: {  	s5 =	sadd.s32 $0x800, s7;
	s7 =	sadd.s32 $0x19800, s8;
	s8 =	sadd.s32 $0x32800, s31  }
.LBB2_1:
0xf: {  	[tilespmem:s4], [sflag:$0x3] =	stream.linear.gather [hbm4b:s5+s4], $0x6400, $0x38;
	[tilespmem:$0x10E00] =	vst v63  }
0x10: {  	_ =	swait.ge [sflag:s9], $0x6400  }
0x11: {  	[sflag:s9] =	ssyncset.done $0x0  }
0x12: {  	[sflag:s9] =	ssyncadd.s32 $0xFFFF9C00  }
0x13: {  	[tilespmem:s11], [sflag:$0x1] =	stream.indirect.gather [hbm4b:s2+s10], $0x10, s4, s10, $0xb8;
	[tilespmem:$0x10E00] =	vst v63  }
0x14: {  	_ = 	snop  }
0x15: {  	[tilespmem:s12], [sflag:$0x2] =	stream.indirect.gather [hbm4b:s3+s10], $0x1, s4, s10, $0xb8;
	[tilespmem:$0x10E00] =	vst v63  }
0x16: {  	_ =	swait.ge [sflag:s13], $0xA000  }
0x17: {  	[sflag:s13] =	ssyncset.done $0x0  }
0x18: {  	[sflag:s13] =	ssyncadd.s32 $0xFFFF6000  }
0x19: {  	_ =	swait.ge [sflag:s14], $0xA00  }
0x1a: {  	[sflag:s14] =	ssyncset.done $0x0  }
0x1b: {  	[sflag:s14] =	ssyncadd.s32 $0xFFFFF600  }
0x1c: {  	[hbm4b:s8+s4] =	stream.linear.scatter [tilespmem:s11], [sflag:$0x3], $0xA000, $0x38;
	[tilespmem:$0x10E00] =	vst v63  }
0x1d: {  	_ =	swait.ge [sflag:s9], $0xA000  }
0x1e: {  	[sflag:s9] =	ssyncset.done $0x0  }
0x1f: {  	s16 =	sadd.s32 $0x0, s7;
	[sflag:s9] =	ssyncadd.s32 $0xFFFF6000  }
0x20: {  	[hbm4b:s16+s4] =	stream.linear.scatter [tilespmem:s12], [sflag:$0x3], $0xA00, $0x38;
	[tilespmem:$0x10E00] =	vst v63  }
0x21: {  	s17 =	simm.s32 $0x0;
	_ =	swait.ge [sflag:s9], $0xA00  }
0x22: {  	s18 =	smov.u32 s8;
	s16 =	simm.s32 $0x140;
	[sflag:s9] =	ssyncset.done $0x0  }
.LBB2_2:
0x23: {  	[sflag:s9] =	ssyncadd.s32 $0xFFFFF600;
	s17 =	sadd.s32 $0xA00, s17;
	s18 =	sadd.s32 $0x1400, s18  }
0x24: {  	[tilespmem:s11], [sflag:$0x1] =	stream.indirect.gather [hbm4b:s2+s10], $0x10, s17, s10, $0xb8;
	[tilespmem:$0x10E00] =	vst v63  }
0x25: {  	p0 =	sne.s32 s16, $0xB40;
	s19 =	smov.u32 s16;
	s16 =	sadd.s32 $0x140, s16  }
0x26: {  	[tilespmem:s12], [sflag:$0x2] =	stream.indirect.gather [hbm4b:s3+s10], $0x1, s17, s10, $0xb8;
	[tilespmem:$0x10E00] =	vst v63  }
0x27: {  	_ =	swait.ge [sflag:s13], $0xA000  }
0x28: {  	[sflag:s13] =	ssyncset.done $0x0  }
0x29: {  	[sflag:s13] =	ssyncadd.s32 $0xFFFF6000  }
0x2a: {  	_ =	swait.ge [sflag:s14], $0xA00  }
0x2b: {  	[sflag:s14] =	ssyncset.done $0x0  }
0x2c: {  	[sflag:s14] =	ssyncadd.s32 $0xFFFFF600  }
0x2d: {  	[hbm4b:s18+s4] =	stream.linear.scatter [tilespmem:s11], [sflag:$0x3], $0xA000, $0x38;
	[tilespmem:$0x10E00] =	vst v63  }
0x2e: {  	_ =	swait.ge [sflag:s9], $0xA000  }
.Ltmp0:
0x2f: {  	[sflag:s9] =	ssyncset.done $0x0;
	(pc) =	sbr.rel @p0 .LBB2_2-.Ltmp0, $4  }
0x30: {  	s19 =	sadd.s32 s19, s7;
	[sflag:s9] =	ssyncadd.s32 $0xFFFF6000  }
0x31: {  	[hbm4b:s19+s4] =	stream.linear.scatter [tilespmem:s12], [sflag:$0x3], $0xA00, $0x38;
	[tilespmem:$0x10E00] =	vst v63  }
0x32: {  	_ =	swait.ge [sflag:s9], $0xA00  }
0x33: {  	[sflag:s9] =	ssyncset.done $0x0  }
0x34: {  	s15 =	sadd.s32 $0x1, s15  }
0x35: {  	p0 =	sne.s32 s15, s6  }
.Ltmp1:
0x36: {  	_ = 	snop;
	(pc) =	sbr.rel @p0 .LBB2_1-.Ltmp1, $2  }
0x37: {  	_ =	sdelay $0x2  }
0x38: {  	[sflag:s9] =	ssyncadd.s32 $0xFFFFF600  }
0x39: {  	_ =	sfence.sel $0x180000  }
0x3a: {  	[bflag:$0x0] =	sbarrier.arrive $0xFFFF  }
0x3b: {  	p0 =	sne.s32 s0, $0x0;
	_ =	strace $0x90000047  }
0x3c: {  	s0 =	sadd.s32 @!p0 $0x100000, s1;
	[bflag:$0x2] =	sbarrier.arrive $0xFFFF  }
0x3d: {  	[sflag:s0] =	ssyncadd.tile.s32 @!p0 $0x1;
	_ =	shalt  }
.Lfunc_end2:
_tile_overlayer_lowered:
.L_overlay_start_2:
0x3e: {  	(tag) =	ssettag $0x2  }
0x3f: {  	s0 =	rddreg [dreg:$0x0];
	s2 =	stileid.u32  }
0x40: {  	s1 =	rddreg [dreg:$0x1];
	p0 =	sne.s32 s2, $0x0  }
0x41: {  	s3 =	rddreg [dreg:$0x2];
	[bflag:$0x3] =	sbarrier.arrive $0xFFFF;
	s2 =	simm.s32 @!p0 $0x1C03  }
0x42: {  	[timem:s3], [sflag:s2] =	dma.local @!p0 [hbm:s0], s1  }
0x43: {  	s0 =	simm.s32 @!p0 $0x3  }
0x44: {  	_ =	swait.ge @!p0 [sflag:s0], s1  }
0x45: {  	s1 =	ssub.s32 @!p0 $0x0, s1;
	[sflag:s0] =	ssyncset.done @!p0 $0x0  }
0x46: {  	[sflag:s0] =	ssyncadd.s32 @!p0 s1  }
0x47: {  	[bflag:$0x3] =	sbarrier.arrive $0xFFFF  }
0x48: {  	_ =	shalt  }

</sc_bundles>
